<compile_context>
chip_gen: v7x
topology: tpu7x:2x2x1
jax: 0.10.2.dev20260603
libtpu: 0.0.44.dev20260713+nightly
codegen_flags: <defaults>
</compile_context>

<pallas_src>
import dataclasses
import functools

import jax
import jax.numpy as jnp
from jax import lax
from jax.experimental import pallas as pl
from jax.experimental.pallas import tpu as pltpu
from jax.experimental.pallas import tpu_sc as plsc

KP1 = 5
L = 16
NC, NS = 2, 16
NW = NC * NS


def _sc_gather(comp, periods, t):
    chunk = t // NW
    mesh = plsc.VectorSubcoreMesh(core_axis_name="c", subcore_axis_name="s")

    cp = pltpu.CompilerParams()
    if "needs_layout_passes" in pltpu.CompilerParams.__dataclass_fields__:
        cp = dataclasses.replace(cp, needs_layout_passes=False)

    @functools.partial(
        pl.kernel,
        mesh=mesh,
        compiler_params=cp,
        out_type=jax.ShapeDtypeStruct((KP1 * t,), jnp.float32),
        scratch_types=[
            pltpu.VMEM((chunk,), jnp.int32),
            pltpu.VMEM((KP1 * chunk,), jnp.int32),
            pltpu.VMEM((KP1 * chunk,), jnp.float32),
            pltpu.SemaphoreType.DMA,
            pltpu.SemaphoreType.DMA,
        ],
    )
    def gather_kernel(comp_hbm, per_hbm, out_hbm, idx_v, idxh_v, gt_v, sem, sem2):
        wid = lax.axis_index("s") * NC + lax.axis_index("c")
        base = wid * chunk
        pltpu.sync_copy(per_hbm.at[pl.ds(base, chunk)], idx_v)

        @pl.loop(0, chunk, step=L)
        def _(i):
            p = idx_v[pl.ds(i, L)]
            for h in range(KP1):
                idxh_v[pl.ds(h * chunk + i, L)] = p + h

        copies = [
            pltpu.async_copy(
                comp_hbm.at[idxh_v.at[pl.ds(h * chunk, chunk)]],
                gt_v.at[pl.ds(h * chunk, chunk)],
                sem,
            )
            for h in range(KP1)
        ]
        outs = []
        for h, c in enumerate(copies):
            c.wait()
            outs.append(
                pltpu.async_copy(
                    gt_v.at[pl.ds(h * chunk, chunk)],
                    out_hbm.at[pl.ds(h * t + base, chunk)],
                    sem2,
                )
            )
        for c in outs:
            c.wait()

    return gather_kernel(comp, periods)


def _tc_matmul(gt, beta_t, alpha_row, t, nser):
    bt = 512

    def mm_body(gt_ref, b_ref, a_ref, o_ref):
        o_ref[...] = (
            lax.dot_general(
                gt_ref[...],
                b_ref[...],
                dimension_numbers=(((0,), (0,)), ((), ())),
                preferred_element_type=jnp.float32,
            )
            + a_ref[...]
        )

    return pl.pallas_call(
        mm_body,
        grid=(t // bt,),
        in_specs=[
            pl.BlockSpec((KP1, bt), lambda i: (0, i)),
            pl.BlockSpec((KP1, nser), lambda i: (0, 0)),
            pl.BlockSpec((1, nser), lambda i: (0, 0)),
        ],
        out_specs=pl.BlockSpec((bt, nser), lambda i: (i, 0)),
        out_shape=jax.ShapeDtypeStruct((t, nser), jnp.float32),
    )(gt, beta_t, alpha_row)


def kernel(periods, component, beta, alpha):
    t = periods.shape[0]
    nser = beta.shape[0]

    gt = _sc_gather(component, periods.astype(jnp.int32), t).reshape(KP1, t)

    beta_t = beta.T.astype(jnp.float32)
    alpha_row = alpha.astype(jnp.float32).reshape(1, nser)

    return _tc_matmul(gt, beta_t, alpha_row, t, nser)

# --- scband reference (transcript-rebuilt; emitter-appended) ---
"""Pipeline reference for scband-gdpc-67731634258628 (READ-ONLY COPY).

The authoritative reference and input builder live on the scoring server;
editing this copy changes nothing except your own understanding.
"""

import jax, jax.numpy as jnp
import numpy as np

K = 4
NUM_PERIODS = 100000
NUM_SERIES = 4096
T = 8192


def setup_inputs(seed: int = 0) -> dict:
    key = jax.random.key(seed)
    k1, k2, k3, k4 = jax.random.split(key, 4)
    periods = jax.random.randint(k1, (T,), 0, NUM_PERIODS)
    component = jax.random.normal(k2, (NUM_PERIODS + K,), dtype=jnp.float32)
    beta = jax.random.normal(k3, (NUM_SERIES, K + 1), dtype=jnp.float32)
    alpha = jax.random.normal(k4, (NUM_SERIES,), dtype=jnp.float32)
    return {"periods": periods, "component": component, "beta": beta, "alpha": alpha}


def reference(periods, component, beta, alpha):
    # Faithful vectorization of:
    #   fits[t, :] = sum_h component[periods[t] + h] * beta[:, h] + alpha
    kp1 = beta.shape[1]
    idx = periods[:, None] + jnp.arange(kp1)[None, :]        # [T, k+1]
    gathered = jnp.take(component, idx, axis=0)              # [T, k+1] gather
    fits = gathered @ beta.T + alpha[None, :]                # [T, num_series]
    return fits

if __name__ == "__main__":
    import jax
    _d = setup_inputs()
    print(jax.jit(kernel)(*tuple(_d.values())))

</pallas_src>

<mosaic_0001>
#map = affine_map<(d0, d1) -> (0)>
module attributes {stable_mosaic.version = 14 : i64} {
  func.func @gather_kernel(%arg0: i32, %arg1: i32, %arg2: memref<100004xf32, #tpu.memory_space<hbm>>, %arg3: memref<8192xi32, #tpu.memory_space<hbm>>, %arg4: memref<40960xf32, #tpu.memory_space<hbm>>, %arg5: memref<256xi32, #tpu.memory_space<vmem>>, %arg6: memref<1280xi32, #tpu.memory_space<vmem>>, %arg7: memref<1280xf32, #tpu.memory_space<vmem>>, %arg8: memref<!tpu.dma_semaphore, #tpu.memory_space<semaphore_mem>>, %arg9: memref<!tpu.dma_semaphore, #tpu.memory_space<semaphore_mem>>) attributes {dimension_semantics = [#tpu.dimension_semantics<core_parallel>, #tpu.dimension_semantics<subcore_parallel>], iteration_bounds = array<i64: 2, 16>, scalar_prefetch = 0 : i64, scratch_operands = 5 : i64, tpu.core_type = #tpu.core_type<sc_vector_subcore>, window_params = [{transform_indices = #map}, {transform_indices = #map}, {transform_indices = #map}]} {
    %mul3A = arith.constant 2 : i32
    %mul3A_0 = arith.muli %arg1, %mul3A : i32
    %add3A = arith.addi %mul3A_0, %arg0 : i32
    %mul3A_1 = arith.constant 256 : i32
    %mul3A_2 = arith.muli %add3A, %mul3A_1 : i32
    "tpu.region"() ({
      %run_scoped3A = tpu.sem_alloc : memref<!tpu.dma_semaphore, #tpu.memory_space<semaphore_mem>>
      %dma_start3A_135 = tpu.memref_slice %arg3[%mul3A_2] : memref<8192xi32, #tpu.memory_space<hbm>> -> memref<256xi32, #tpu.memory_space<hbm>>
      %dma_start3A_136 = tpu.memref_slice %arg3[%mul3A_2] : memref<8192xi32, #tpu.memory_space<hbm>> -> memref<256xi32, #tpu.memory_space<hbm>>
      tpu.enqueue_dma source(%dma_start3A_136 : memref<256xi32, #tpu.memory_space<hbm>>) target(%arg5 : memref<256xi32, #tpu.memory_space<vmem>>) target_semaphore(%run_scoped3A : memref<!tpu.dma_semaphore, #tpu.memory_space<semaphore_mem>>)
      %dma_wait3A_137 = tpu.memref_slice %arg3[%mul3A_2] : memref<8192xi32, #tpu.memory_space<hbm>> -> memref<256xi32, #tpu.memory_space<hbm>>
      %dma_wait3A_138 = tpu.memref_slice %arg3[%mul3A_2] : memref<8192xi32, #tpu.memory_space<hbm>> -> memref<256xi32, #tpu.memory_space<hbm>>
      tpu.wait_dma2 semaphore(%run_scoped3A : memref<!tpu.dma_semaphore, #tpu.memory_space<semaphore_mem>>) src(%dma_wait3A_138 : memref<256xi32, #tpu.memory_space<hbm>>) dst(%arg5 : memref<256xi32, #tpu.memory_space<vmem>>)
      tpu.yield
    }) : () -> ()
    %scan3A = arith.constant 0 : i32
    %scan3A_3 = arith.constant 16 : i32
    %scan3A_4 = arith.addi %scan3A, %scan3A_3 : i32
    %scan3A_5 = arith.constant 1 : i32
    scf.for %scan3A_135 = %scan3A to %scan3A_4 step %scan3A_5  : i32 {
      %mul3A_136 = arith.constant 16 : i32
      %mul3A_137 = arith.muli %scan3A_135, %mul3A_136 : i32
      %add3A_138 = arith.constant 0 : i32
      %add3A_139 = arith.addi %add3A_138, %mul3A_137 : i32
      %get3A = arith.index_cast %add3A_139 : i32 to index
      %get3A_140 = tpu.vector_load %arg5[%get3A] {strides = array<i32>} : memref<256xi32, #tpu.memory_space<vmem>>, vector<16xi32>,
      %add3A_141 = arith.constant 0 : i32
      %add3A_142 = vector.broadcast %add3A_141 : i32 to vector<16xi32>
      %add3A_143 = arith.addi %get3A_140, %add3A_142 : vector<16xi32>
      %add3A_144 = arith.constant 0 : i32
      %add3A_145 = arith.addi %add3A_144, %add3A_139 : i32
      %swap3A = arith.index_cast %add3A_145 : i32 to index
      %swap3A_146 = tpu.vector_load %arg6[%swap3A] {strides = array<i32>} : memref<1280xi32, #tpu.memory_space<vmem>>, vector<16xi32>,
      tpu.vector_store %arg6[%swap3A], %add3A_143 {strides = array<i32>} : memref<1280xi32, #tpu.memory_space<vmem>>, vector<16xi32>,
      %add3A_147 = arith.constant 1 : i32
      %add3A_148 = vector.broadcast %add3A_147 : i32 to vector<16xi32>
      %add3A_149 = arith.addi %get3A_140, %add3A_148 : vector<16xi32>
      %add3A_150 = arith.constant 256 : i32
      %add3A_151 = arith.addi %add3A_150, %add3A_139 : i32
      %swap3A_152 = arith.index_cast %add3A_151 : i32 to index
      %swap3A_153 = tpu.vector_load %arg6[%swap3A_152] {strides = array<i32>} : memref<1280xi32, #tpu.memory_space<vmem>>, vector<16xi32>,
      tpu.vector_store %arg6[%swap3A_152], %add3A_149 {strides = array<i32>} : memref<1280xi32, #tpu.memory_space<vmem>>, vector<16xi32>,
      %add3A_154 = arith.constant 2 : i32
      %add3A_155 = vector.broadcast %add3A_154 : i32 to vector<16xi32>
      %add3A_156 = arith.addi %get3A_140, %add3A_155 : vector<16xi32>
      %add3A_157 = arith.constant 512 : i32
      %add3A_158 = arith.addi %add3A_157, %add3A_139 : i32
      %swap3A_159 = arith.index_cast %add3A_158 : i32 to index
      %swap3A_160 = tpu.vector_load %arg6[%swap3A_159] {strides = array<i32>} : memref<1280xi32, #tpu.memory_space<vmem>>, vector<16xi32>,
      tpu.vector_store %arg6[%swap3A_159], %add3A_156 {strides = array<i32>} : memref<1280xi32, #tpu.memory_space<vmem>>, vector<16xi32>,
      %add3A_161 = arith.constant 3 : i32
      %add3A_162 = vector.broadcast %add3A_161 : i32 to vector<16xi32>
      %add3A_163 = arith.addi %get3A_140, %add3A_162 : vector<16xi32>
      %add3A_164 = arith.constant 768 : i32
      %add3A_165 = arith.addi %add3A_164, %add3A_139 : i32
      %swap3A_166 = arith.index_cast %add3A_165 : i32 to index
      %swap3A_167 = tpu.vector_load %arg6[%swap3A_166] {strides = array<i32>} : memref<1280xi32, #tpu.memory_space<vmem>>, vector<16xi32>,
      tpu.vector_store %arg6[%swap3A_166], %add3A_163 {strides = array<i32>} : memref<1280xi32, #tpu.memory_space<vmem>>, vector<16xi32>,
      %add3A_168 = arith.constant 4 : i32
      %add3A_169 = vector.broadcast %add3A_168 : i32 to vector<16xi32>
      %add3A_170 = arith.addi %get3A_140, %add3A_169 : vector<16xi32>
      %add3A_171 = arith.constant 1024 : i32
      %add3A_172 = arith.addi %add3A_171, %add3A_139 : i32
      %swap3A_173 = arith.index_cast %add3A_172 : i32 to index
      %swap3A_174 = tpu.vector_load %arg6[%swap3A_173] {strides = array<i32>} : memref<1280xi32, #tpu.memory_space<vmem>>, vector<16xi32>,
      tpu.vector_store %arg6[%swap3A_173], %add3A_170 {strides = array<i32>} : memref<1280xi32, #tpu.memory_space<vmem>>, vector<16xi32>,
    }
    %scan3A_6 = arith.constant 16 : i32
    %dma_start3A = arith.constant 0 : i32
    %dma_start3A_7 = tpu.memref_slice %arg7[%dma_start3A] : memref<1280xf32, #tpu.memory_space<vmem>> -> memref<256xf32, #tpu.memory_space<vmem>>
    %dma_start3A_8 = arith.constant 0 : i32
    %dma_start3A_9 = tpu.memref_slice %arg6[%dma_start3A_8] : memref<1280xi32, #tpu.memory_space<vmem>> -> memref<256xi32, #tpu.memory_space<vmem>>
    %dma_start3A_10 = arith.constant 0 : i32
    %dma_start3A_11 = tpu.memref_slice %arg2[%dma_start3A_10] : memref<100004xf32, #tpu.memory_space<hbm>> -> memref<100004xf32, #tpu.memory_space<hbm>>
    tpu.enqueue_indirect_dma source(%dma_start3A_11 : memref<100004xf32, #tpu.memory_space<hbm>>) target(%dma_start3A_7 : memref<256xf32, #tpu.memory_space<vmem>>) offsets(%dma_start3A_9 : memref<256xi32, #tpu.memory_space<vmem>>) semaphore(%arg8 : memref<!tpu.dma_semaphore, #tpu.memory_space<semaphore_mem>>)
    %dma_start3A_12 = arith.constant 256 : i32
    %dma_start3A_13 = tpu.memref_slice %arg7[%dma_start3A_12] : memref<1280xf32, #tpu.memory_space<vmem>> -> memref<256xf32, #tpu.memory_space<vmem>>
    %dma_start3A_14 = arith.constant 256 : i32
    %dma_start3A_15 = tpu.memref_slice %arg6[%dma_start3A_14] : memref<1280xi32, #tpu.memory_space<vmem>> -> memref<256xi32, #tpu.memory_space<vmem>>
    %dma_start3A_16 = arith.constant 0 : i32
    %dma_start3A_17 = tpu.memref_slice %arg2[%dma_start3A_16] : memref<100004xf32, #tpu.memory_space<hbm>> -> memref<100004xf32, #tpu.memory_space<hbm>>
    tpu.enqueue_indirect_dma source(%dma_start3A_17 : memref<100004xf32, #tpu.memory_space<hbm>>) target(%dma_start3A_13 : memref<256xf32, #tpu.memory_space<vmem>>) offsets(%dma_start3A_15 : memref<256xi32, #tpu.memory_space<vmem>>) semaphore(%arg8 : memref<!tpu.dma_semaphore, #tpu.memory_space<semaphore_mem>>)
    %dma_start3A_18 = arith.constant 512 : i32
    %dma_start3A_19 = tpu.memref_slice %arg7[%dma_start3A_18] : memref<1280xf32, #tpu.memory_space<vmem>> -> memref<256xf32, #tpu.memory_space<vmem>>
    %dma_start3A_20 = arith.constant 512 : i32
    %dma_start3A_21 = tpu.memref_slice %arg6[%dma_start3A_20] : memref<1280xi32, #tpu.memory_space<vmem>> -> memref<256xi32, #tpu.memory_space<vmem>>
    %dma_start3A_22 = arith.constant 0 : i32
    %dma_start3A_23 = tpu.memref_slice %arg2[%dma_start3A_22] : memref<100004xf32, #tpu.memory_space<hbm>> -> memref<100004xf32, #tpu.memory_space<hbm>>
    tpu.enqueue_indirect_dma source(%dma_start3A_23 : memref<100004xf32, #tpu.memory_space<hbm>>) target(%dma_start3A_19 : memref<256xf32, #tpu.memory_space<vmem>>) offsets(%dma_start3A_21 : memref<256xi32, #tpu.memory_space<vmem>>) semaphore(%arg8 : memref<!tpu.dma_semaphore, #tpu.memory_space<semaphore_mem>>)
    %dma_start3A_24 = arith.constant 768 : i32
    %dma_start3A_25 = tpu.memref_slice %arg7[%dma_start3A_24] : memref<1280xf32, #tpu.memory_space<vmem>> -> memref<256xf32, #tpu.memory_space<vmem>>
    %dma_start3A_26 = arith.constant 768 : i32
    %dma_start3A_27 = tpu.memref_slice %arg6[%dma_start3A_26] : memref<1280xi32, #tpu.memory_space<vmem>> -> memref<256xi32, #tpu.memory_space<vmem>>
    %dma_start3A_28 = arith.constant 0 : i32
    %dma_start3A_29 = tpu.memref_slice %arg2[%dma_start3A_28] : memref<100004xf32, #tpu.memory_space<hbm>> -> memref<100004xf32, #tpu.memory_space<hbm>>
    tpu.enqueue_indirect_dma source(%dma_start3A_29 : memref<100004xf32, #tpu.memory_space<hbm>>) target(%dma_start3A_25 : memref<256xf32, #tpu.memory_space<vmem>>) offsets(%dma_start3A_27 : memref<256xi32, #tpu.memory_space<vmem>>) semaphore(%arg8 : memref<!tpu.dma_semaphore, #tpu.memory_space<semaphore_mem>>)
    %dma_start3A_30 = arith.constant 1024 : i32
    %dma_start3A_31 = tpu.memref_slice %arg7[%dma_start3A_30] : memref<1280xf32, #tpu.memory_space<vmem>> -> memref<256xf32, #tpu.memory_space<vmem>>
    %dma_start3A_32 = arith.constant 1024 : i32
    %dma_start3A_33 = tpu.memref_slice %arg6[%dma_start3A_32] : memref<1280xi32, #tpu.memory_space<vmem>> -> memref<256xi32, #tpu.memory_space<vmem>>
    %dma_start3A_34 = arith.constant 0 : i32
    %dma_start3A_35 = tpu.memref_slice %arg2[%dma_start3A_34] : memref<100004xf32, #tpu.memory_space<hbm>> -> memref<100004xf32, #tpu.memory_space<hbm>>
    tpu.enqueue_indirect_dma source(%dma_start3A_35 : memref<100004xf32, #tpu.memory_space<hbm>>) target(%dma_start3A_31 : memref<256xf32, #tpu.memory_space<vmem>>) offsets(%dma_start3A_33 : memref<256xi32, #tpu.memory_space<vmem>>) semaphore(%arg8 : memref<!tpu.dma_semaphore, #tpu.memory_space<semaphore_mem>>)
    %dma_wait3A = arith.constant 0 : i32
    %dma_wait3A_36 = tpu.memref_slice %arg7[%dma_wait3A] : memref<1280xf32, #tpu.memory_space<vmem>> -> memref<256xf32, #tpu.memory_space<vmem>>
    %dma_wait3A_37 = arith.constant 0 : i32
    %dma_wait3A_38 = tpu.memref_slice %arg6[%dma_wait3A_37] : memref<1280xi32, #tpu.memory_space<vmem>> -> memref<256xi32, #tpu.memory_space<vmem>>
    %dma_wait3A_39 = arith.constant 0 : i32
    %dma_wait3A_40 = tpu.memref_slice %arg2[%dma_wait3A_39] : memref<100004xf32, #tpu.memory_space<hbm>> -> memref<100004xf32, #tpu.memory_space<hbm>>
    tpu.wait_indirect_dma semaphore(%arg8 : memref<!tpu.dma_semaphore, #tpu.memory_space<semaphore_mem>>) src(%dma_wait3A_40 : memref<100004xf32, #tpu.memory_space<hbm>>) dst(%dma_wait3A_36 : memref<256xf32, #tpu.memory_space<vmem>>)
    %add3A_41 = arith.constant 0 : i32
    %add3A_42 = arith.addi %add3A_41, %mul3A_2 : i32
    %dma_start3A_43 = arith.constant 0 : i32
    %dma_start3A_44 = tpu.memref_slice %arg7[%dma_start3A_43] : memref<1280xf32, #tpu.memory_space<vmem>> -> memref<256xf32, #tpu.memory_space<vmem>>
    %dma_start3A_45 = tpu.memref_slice %arg4[%add3A_42] : memref<40960xf32, #tpu.memory_space<hbm>> -> memref<256xf32, #tpu.memory_space<hbm>>
    %dma_start3A_46 = tpu.memref_slice %arg4[%add3A_42] : memref<40960xf32, #tpu.memory_space<hbm>> -> memref<256xf32, #tpu.memory_space<hbm>>
    %dma_start3A_47 = arith.constant 0 : i32
    %dma_start3A_48 = tpu.memref_slice %arg7[%dma_start3A_47] : memref<1280xf32, #tpu.memory_space<vmem>> -> memref<256xf32, #tpu.memory_space<vmem>>
    tpu.enqueue_dma source(%dma_start3A_48 : memref<256xf32, #tpu.memory_space<vmem>>) target(%dma_start3A_46 : memref<256xf32, #tpu.memory_space<hbm>>) target_semaphore(%arg9 : memref<!tpu.dma_semaphore, #tpu.memory_space<semaphore_mem>>)
    %dma_wait3A_49 = arith.constant 256 : i32
    %dma_wait3A_50 = tpu.memref_slice %arg7[%dma_wait3A_49] : memref<1280xf32, #tpu.memory_space<vmem>> -> memref<256xf32, #tpu.memory_space<vmem>>
    %dma_wait3A_51 = arith.constant 256 : i32
    %dma_wait3A_52 = tpu.memref_slice %arg6[%dma_wait3A_51] : memref<1280xi32, #tpu.memory_space<vmem>> -> memref<256xi32, #tpu.memory_space<vmem>>
    %dma_wait3A_53 = arith.constant 0 : i32
    %dma_wait3A_54 = tpu.memref_slice %arg2[%dma_wait3A_53] : memref<100004xf32, #tpu.memory_space<hbm>> -> memref<100004xf32, #tpu.memory_space<hbm>>
    tpu.wait_indirect_dma semaphore(%arg8 : memref<!tpu.dma_semaphore, #tpu.memory_space<semaphore_mem>>) src(%dma_wait3A_54 : memref<100004xf32, #tpu.memory_space<hbm>>) dst(%dma_wait3A_50 : memref<256xf32, #tpu.memory_space<vmem>>)
    %add3A_55 = arith.constant 8192 : i32
    %add3A_56 = arith.addi %add3A_55, %mul3A_2 : i32
    %dma_start3A_57 = arith.constant 256 : i32
    %dma_start3A_58 = tpu.memref_slice %arg7[%dma_start3A_57] : memref<1280xf32, #tpu.memory_space<vmem>> -> memref<256xf32, #tpu.memory_space<vmem>>
    %dma_start3A_59 = tpu.memref_slice %arg4[%add3A_56] : memref<40960xf32, #tpu.memory_space<hbm>> -> memref<256xf32, #tpu.memory_space<hbm>>
    %dma_start3A_60 = tpu.memref_slice %arg4[%add3A_56] : memref<40960xf32, #tpu.memory_space<hbm>> -> memref<256xf32, #tpu.memory_space<hbm>>
    %dma_start3A_61 = arith.constant 256 : i32
    %dma_start3A_62 = tpu.memref_slice %arg7[%dma_start3A_61] : memref<1280xf32, #tpu.memory_space<vmem>> -> memref<256xf32, #tpu.memory_space<vmem>>
    tpu.enqueue_dma source(%dma_start3A_62 : memref<256xf32, #tpu.memory_space<vmem>>) target(%dma_start3A_60 : memref<256xf32, #tpu.memory_space<hbm>>) target_semaphore(%arg9 : memref<!tpu.dma_semaphore, #tpu.memory_space<semaphore_mem>>)
    %dma_wait3A_63 = arith.constant 512 : i32
    %dma_wait3A_64 = tpu.memref_slice %arg7[%dma_wait3A_63] : memref<1280xf32, #tpu.memory_space<vmem>> -> memref<256xf32, #tpu.memory_space<vmem>>
    %dma_wait3A_65 = arith.constant 512 : i32
    %dma_wait3A_66 = tpu.memref_slice %arg6[%dma_wait3A_65] : memref<1280xi32, #tpu.memory_space<vmem>> -> memref<256xi32, #tpu.memory_space<vmem>>
    %dma_wait3A_67 = arith.constant 0 : i32
    %dma_wait3A_68 = tpu.memref_slice %arg2[%dma_wait3A_67] : memref<100004xf32, #tpu.memory_space<hbm>> -> memref<100004xf32, #tpu.memory_space<hbm>>
    tpu.wait_indirect_dma semaphore(%arg8 : memref<!tpu.dma_semaphore, #tpu.memory_space<semaphore_mem>>) src(%dma_wait3A_68 : memref<100004xf32, #tpu.memory_space<hbm>>) dst(%dma_wait3A_64 : memref<256xf32, #tpu.memory_space<vmem>>)
    %add3A_69 = arith.constant 16384 : i32
    %add3A_70 = arith.addi %add3A_69, %mul3A_2 : i32
    %dma_start3A_71 = arith.constant 512 : i32
    %dma_start3A_72 = tpu.memref_slice %arg7[%dma_start3A_71] : memref<1280xf32, #tpu.memory_space<vmem>> -> memref<256xf32, #tpu.memory_space<vmem>>
    %dma_start3A_73 = tpu.memref_slice %arg4[%add3A_70] : memref<40960xf32, #tpu.memory_space<hbm>> -> memref<256xf32, #tpu.memory_space<hbm>>
    %dma_start3A_74 = tpu.memref_slice %arg4[%add3A_70] : memref<40960xf32, #tpu.memory_space<hbm>> -> memref<256xf32, #tpu.memory_space<hbm>>
    %dma_start3A_75 = arith.constant 512 : i32
    %dma_start3A_76 = tpu.memref_slice %arg7[%dma_start3A_75] : memref<1280xf32, #tpu.memory_space<vmem>> -> memref<256xf32, #tpu.memory_space<vmem>>
    tpu.enqueue_dma source(%dma_start3A_76 : memref<256xf32, #tpu.memory_space<vmem>>) target(%dma_start3A_74 : memref<256xf32, #tpu.memory_space<hbm>>) target_semaphore(%arg9 : memref<!tpu.dma_semaphore, #tpu.memory_space<semaphore_mem>>)
    %dma_wait3A_77 = arith.constant 768 : i32
    %dma_wait3A_78 = tpu.memref_slice %arg7[%dma_wait3A_77] : memref<1280xf32, #tpu.memory_space<vmem>> -> memref<256xf32, #tpu.memory_space<vmem>>
    %dma_wait3A_79 = arith.constant 768 : i32
    %dma_wait3A_80 = tpu.memref_slice %arg6[%dma_wait3A_79] : memref<1280xi32, #tpu.memory_space<vmem>> -> memref<256xi32, #tpu.memory_space<vmem>>
    %dma_wait3A_81 = arith.constant 0 : i32
    %dma_wait3A_82 = tpu.memref_slice %arg2[%dma_wait3A_81] : memref<100004xf32, #tpu.memory_space<hbm>> -> memref<100004xf32, #tpu.memory_space<hbm>>
    tpu.wait_indirect_dma semaphore(%arg8 : memref<!tpu.dma_semaphore, #tpu.memory_space<semaphore_mem>>) src(%dma_wait3A_82 : memref<100004xf32, #tpu.memory_space<hbm>>) dst(%dma_wait3A_78 : memref<256xf32, #tpu.memory_space<vmem>>)
    %add3A_83 = arith.constant 24576 : i32
    %add3A_84 = arith.addi %add3A_83, %mul3A_2 : i32
    %dma_start3A_85 = arith.constant 768 : i32
    %dma_start3A_86 = tpu.memref_slice %arg7[%dma_start3A_85] : memref<1280xf32, #tpu.memory_space<vmem>> -> memref<256xf32, #tpu.memory_space<vmem>>
    %dma_start3A_87 = tpu.memref_slice %arg4[%add3A_84] : memref<40960xf32, #tpu.memory_space<hbm>> -> memref<256xf32, #tpu.memory_space<hbm>>
    %dma_start3A_88 = tpu.memref_slice %arg4[%add3A_84] : memref<40960xf32, #tpu.memory_space<hbm>> -> memref<256xf32, #tpu.memory_space<hbm>>
    %dma_start3A_89 = arith.constant 768 : i32
    %dma_start3A_90 = tpu.memref_slice %arg7[%dma_start3A_89] : memref<1280xf32, #tpu.memory_space<vmem>> -> memref<256xf32, #tpu.memory_space<vmem>>
    tpu.enqueue_dma source(%dma_start3A_90 : memref<256xf32, #tpu.memory_space<vmem>>) target(%dma_start3A_88 : memref<256xf32, #tpu.memory_space<hbm>>) target_semaphore(%arg9 : memref<!tpu.dma_semaphore, #tpu.memory_space<semaphore_mem>>)
    %dma_wait3A_91 = arith.constant 1024 : i32
    %dma_wait3A_92 = tpu.memref_slice %arg7[%dma_wait3A_91] : memref<1280xf32, #tpu.memory_space<vmem>> -> memref<256xf32, #tpu.memory_space<vmem>>
    %dma_wait3A_93 = arith.constant 1024 : i32
    %dma_wait3A_94 = tpu.memref_slice %arg6[%dma_wait3A_93] : memref<1280xi32, #tpu.memory_space<vmem>> -> memref<256xi32, #tpu.memory_space<vmem>>
    %dma_wait3A_95 = arith.constant 0 : i32
    %dma_wait3A_96 = tpu.memref_slice %arg2[%dma_wait3A_95] : memref<100004xf32, #tpu.memory_space<hbm>> -> memref<100004xf32, #tpu.memory_space<hbm>>
    tpu.wait_indirect_dma semaphore(%arg8 : memref<!tpu.dma_semaphore, #tpu.memory_space<semaphore_mem>>) src(%dma_wait3A_96 : memref<100004xf32, #tpu.memory_space<hbm>>) dst(%dma_wait3A_92 : memref<256xf32, #tpu.memory_space<vmem>>)
    %add3A_97 = arith.constant 32768 : i32
    %add3A_98 = arith.addi %add3A_97, %mul3A_2 : i32
    %dma_start3A_99 = arith.constant 1024 : i32
    %dma_start3A_100 = tpu.memref_slice %arg7[%dma_start3A_99] : memref<1280xf32, #tpu.memory_space<vmem>> -> memref<256xf32, #tpu.memory_space<vmem>>
    %dma_start3A_101 = tpu.memref_slice %arg4[%add3A_98] : memref<40960xf32, #tpu.memory_space<hbm>> -> memref<256xf32, #tpu.memory_space<hbm>>
    %dma_start3A_102 = tpu.memref_slice %arg4[%add3A_98] : memref<40960xf32, #tpu.memory_space<hbm>> -> memref<256xf32, #tpu.memory_space<hbm>>
    %dma_start3A_103 = arith.constant 1024 : i32
    %dma_start3A_104 = tpu.memref_slice %arg7[%dma_start3A_103] : memref<1280xf32, #tpu.memory_space<vmem>> -> memref<256xf32, #tpu.memory_space<vmem>>
    tpu.enqueue_dma source(%dma_start3A_104 : memref<256xf32, #tpu.memory_space<vmem>>) target(%dma_start3A_102 : memref<256xf32, #tpu.memory_space<hbm>>) target_semaphore(%arg9 : memref<!tpu.dma_semaphore, #tpu.memory_space<semaphore_mem>>)
    %dma_wait3A_105 = arith.constant 0 : i32
    %dma_wait3A_106 = tpu.memref_slice %arg7[%dma_wait3A_105] : memref<1280xf32, #tpu.memory_space<vmem>> -> memref<256xf32, #tpu.memory_space<vmem>>
    %dma_wait3A_107 = tpu.memref_slice %arg4[%add3A_42] : memref<40960xf32, #tpu.memory_space<hbm>> -> memref<256xf32, #tpu.memory_space<hbm>>
    %dma_wait3A_108 = tpu.memref_slice %arg4[%add3A_42] : memref<40960xf32, #tpu.memory_space<hbm>> -> memref<256xf32, #tpu.memory_space<hbm>>
    %dma_wait3A_109 = arith.constant 0 : i32
    %dma_wait3A_110 = tpu.memref_slice %arg7[%dma_wait3A_109] : memref<1280xf32, #tpu.memory_space<vmem>> -> memref<256xf32, #tpu.memory_space<vmem>>
    tpu.wait_dma2 semaphore(%arg9 : memref<!tpu.dma_semaphore, #tpu.memory_space<semaphore_mem>>) src(%dma_wait3A_110 : memref<256xf32, #tpu.memory_space<vmem>>) dst(%dma_wait3A_108 : memref<256xf32, #tpu.memory_space<hbm>>)
    %dma_wait3A_111 = arith.constant 256 : i32
    %dma_wait3A_112 = tpu.memref_slice %arg7[%dma_wait3A_111] : memref<1280xf32, #tpu.memory_space<vmem>> -> memref<256xf32, #tpu.memory_space<vmem>>
    %dma_wait3A_113 = tpu.memref_slice %arg4[%add3A_56] : memref<40960xf32, #tpu.memory_space<hbm>> -> memref<256xf32, #tpu.memory_space<hbm>>
    %dma_wait3A_114 = tpu.memref_slice %arg4[%add3A_56] : memref<40960xf32, #tpu.memory_space<hbm>> -> memref<256xf32, #tpu.memory_space<hbm>>
    %dma_wait3A_115 = arith.constant 256 : i32
    %dma_wait3A_116 = tpu.memref_slice %arg7[%dma_wait3A_115] : memref<1280xf32, #tpu.memory_space<vmem>> -> memref<256xf32, #tpu.memory_space<vmem>>
    tpu.wait_dma2 semaphore(%arg9 : memref<!tpu.dma_semaphore, #tpu.memory_space<semaphore_mem>>) src(%dma_wait3A_116 : memref<256xf32, #tpu.memory_space<vmem>>) dst(%dma_wait3A_114 : memref<256xf32, #tpu.memory_space<hbm>>)
    %dma_wait3A_117 = arith.constant 512 : i32
    %dma_wait3A_118 = tpu.memref_slice %arg7[%dma_wait3A_117] : memref<1280xf32, #tpu.memory_space<vmem>> -> memref<256xf32, #tpu.memory_space<vmem>>
    %dma_wait3A_119 = tpu.memref_slice %arg4[%add3A_70] : memref<40960xf32, #tpu.memory_space<hbm>> -> memref<256xf32, #tpu.memory_space<hbm>>
    %dma_wait3A_120 = tpu.memref_slice %arg4[%add3A_70] : memref<40960xf32, #tpu.memory_space<hbm>> -> memref<256xf32, #tpu.memory_space<hbm>>
    %dma_wait3A_121 = arith.constant 512 : i32
    %dma_wait3A_122 = tpu.memref_slice %arg7[%dma_wait3A_121] : memref<1280xf32, #tpu.memory_space<vmem>> -> memref<256xf32, #tpu.memory_space<vmem>>
    tpu.wait_dma2 semaphore(%arg9 : memref<!tpu.dma_semaphore, #tpu.memory_space<semaphore_mem>>) src(%dma_wait3A_122 : memref<256xf32, #tpu.memory_space<vmem>>) dst(%dma_wait3A_120 : memref<256xf32, #tpu.memory_space<hbm>>)
    %dma_wait3A_123 = arith.constant 768 : i32
    %dma_wait3A_124 = tpu.memref_slice %arg7[%dma_wait3A_123] : memref<1280xf32, #tpu.memory_space<vmem>> -> memref<256xf32, #tpu.memory_space<vmem>>
    %dma_wait3A_125 = tpu.memref_slice %arg4[%add3A_84] : memref<40960xf32, #tpu.memory_space<hbm>> -> memref<256xf32, #tpu.memory_space<hbm>>
    %dma_wait3A_126 = tpu.memref_slice %arg4[%add3A_84] : memref<40960xf32, #tpu.memory_space<hbm>> -> memref<256xf32, #tpu.memory_space<hbm>>
    %dma_wait3A_127 = arith.constant 768 : i32
    %dma_wait3A_128 = tpu.memref_slice %arg7[%dma_wait3A_127] : memref<1280xf32, #tpu.memory_space<vmem>> -> memref<256xf32, #tpu.memory_space<vmem>>
    tpu.wait_dma2 semaphore(%arg9 : memref<!tpu.dma_semaphore, #tpu.memory_space<semaphore_mem>>) src(%dma_wait3A_128 : memref<256xf32, #tpu.memory_space<vmem>>) dst(%dma_wait3A_126 : memref<256xf32, #tpu.memory_space<hbm>>)
    %dma_wait3A_129 = arith.constant 1024 : i32
    %dma_wait3A_130 = tpu.memref_slice %arg7[%dma_wait3A_129] : memref<1280xf32, #tpu.memory_space<vmem>> -> memref<256xf32, #tpu.memory_space<vmem>>
    %dma_wait3A_131 = tpu.memref_slice %arg4[%add3A_98] : memref<40960xf32, #tpu.memory_space<hbm>> -> memref<256xf32, #tpu.memory_space<hbm>>
    %dma_wait3A_132 = tpu.memref_slice %arg4[%add3A_98] : memref<40960xf32, #tpu.memory_space<hbm>> -> memref<256xf32, #tpu.memory_space<hbm>>
    %dma_wait3A_133 = arith.constant 1024 : i32
    %dma_wait3A_134 = tpu.memref_slice %arg7[%dma_wait3A_133] : memref<1280xf32, #tpu.memory_space<vmem>> -> memref<256xf32, #tpu.memory_space<vmem>>
    tpu.wait_dma2 semaphore(%arg9 : memref<!tpu.dma_semaphore, #tpu.memory_space<semaphore_mem>>) src(%dma_wait3A_134 : memref<256xf32, #tpu.memory_space<vmem>>) dst(%dma_wait3A_132 : memref<256xf32, #tpu.memory_space<hbm>>)
    return
  }
}

module attributes {stable_mosaic.version = 14 : i64} {
  func.func @mm_body(%arg0: i32, %arg1: memref<5x512xf32, #tpu.memory_space<vmem>>, %arg2: memref<5x4096xf32, #tpu.memory_space<vmem>>, %arg3: memref<1x4096xf32, #tpu.memory_space<vmem>>, %arg4: memref<512x4096xf32, #tpu.memory_space<vmem>>) attributes {dimension_semantics = [#tpu.dimension_semantics<arbitrary>], iteration_bounds = array<i64: 16>, scalar_prefetch = 0 : i64, scratch_operands = 0 : i64, tpu.core_type = #tpu.core_type<tc>, window_params = [{transform_indices = @transform_0, window_bounds = array<i64: 5, 512>}, {pipeline_mode = #tpu.pipeline_mode<synchronous>, transform_indices = @transform_1, window_bounds = array<i64: 5, 4096>}, {pipeline_mode = #tpu.pipeline_mode<synchronous>, transform_indices = @transform_2, window_bounds = array<i64: 1, 4096>}, {transform_indices = @transform_3, window_bounds = array<i64: 512, 4096>}]} {
    %get3A = arith.constant 0 : index
    %get3A_0 = arith.constant 0 : index
    %get3A_1 = vector.load %arg1[%get3A, %get3A_0] : memref<5x512xf32, #tpu.memory_space<vmem>>, vector<5x512xf32>
    %get3A_2 = arith.constant 0 : index
    %get3A_3 = arith.constant 0 : index
    %get3A_4 = vector.load %arg2[%get3A_2, %get3A_3] : memref<5x4096xf32, #tpu.memory_space<vmem>>, vector<5x4096xf32>
    %dot_general3A = arith.constant dense<0.000000e+00> : vector<512x4096xf32>
    %dot_general3A_5 = tpu.matmul %get3A_1, %get3A_4, %dot_general3A {dimension_numbers = #tpu.dot_dimension_numbers<[0], [0], [1], [1], [0, 1, 1, 1], [], []>, transpose_lhs_hint = false} : vector<5x512xf32>, vector<5x4096xf32>, vector<512x4096xf32> -> vector<512x4096xf32>
    %get3A_6 = arith.constant 0 : index
    %get3A_7 = arith.constant 0 : index
    %get3A_8 = vector.load %arg3[%get3A_6, %get3A_7] : memref<1x4096xf32, #tpu.memory_space<vmem>>, vector<1x4096xf32>
    %add3A = vector.broadcast %get3A_8 : vector<1x4096xf32> to vector<512x4096xf32>
    %add3A_9 = arith.addf %dot_general3A_5, %add3A : vector<512x4096xf32>
    %swap3A = arith.constant 0 : index
    %swap3A_10 = arith.constant 0 : index
    %swap3A_11 = vector.load %arg4[%swap3A, %swap3A_10] : memref<512x4096xf32, #tpu.memory_space<vmem>>, vector<512x4096xf32>
    tpu.vector_store %arg4[%swap3A, %swap3A_10], %add3A_9 {strides = array<i32>} : memref<512x4096xf32, #tpu.memory_space<vmem>>, vector<512x4096xf32>,
    return
  }
  func.func @transform_0(%arg0: i32) -> (i32, i32) {
    %c0_i32 = arith.constant 0 : i32
    %c0_i32_0 = arith.constant 0 : i32
    return %c0_i32, %arg0 : i32, i32
  }
  func.func @transform_1(%arg0: i32) -> (i32, i32) {
    %c0_i32 = arith.constant 0 : i32
    %c0_i32_0 = arith.constant 0 : i32
    %c0_i32_1 = arith.constant 0 : i32
    return %c0_i32, %c0_i32_0 : i32, i32
  }
  func.func @transform_2(%arg0: i32) -> (i32, i32) {
    %c0_i32 = arith.constant 0 : i32
    %c0_i32_0 = arith.constant 0 : i32
    %c0_i32_1 = arith.constant 0 : i32
    return %c0_i32, %c0_i32_0 : i32, i32
  }
  func.func @transform_3(%arg0: i32) -> (i32, i32) {
    %c0_i32 = arith.constant 0 : i32
    %c0_i32_0 = arith.constant 0 : i32
    return %arg0, %c0_i32 : i32, i32
  }
}

</mosaic_0001>

<sc_bundles>
// kernel: kernel.4.cloned.1.call-start
scs
__scs_entry_jumppad:
0x0: {  	(pc) =	sbr.rel $0x88, $3  }
0x1: {  	(tag) =	ssettag $0x0;
	lr =	simm.s32 $0x1  }
0x2: {  	[smem:$0x3F9D] =	sst lr;
	_ =	strace $0xD0000000  }
0x3: {  	_ = 	snop  }
0x4: {  	_ = 	snop  }
0x5: {  	_ = 	snop  }
0x6: {  	_ = 	snop  }
0x7: {  	_ = 	snop  }
__scs_overlays_trampoline_lowered:
0x8: {  	[smem:$0x3FAC] =	sst s0  }
0x9: {  	[smem:$0x3FAD] =	sst s1  }
0xa: {  	[smem:$0x3FAE] =	sst s2  }
0xb: {  	[smem:$0x3FAF] =	sst s3  }
0xc: {  	[smem:$0x3FB0] =	sst s4  }
0xd: {  	[smem:$0x3FB1] =	sst s5  }
0xe: {  	[smem:$0x3FB2] =	sst s6  }
0xf: {  	[smem:$0x3FB3] =	sst s7  }
0x10: {  	[smem:$0x3FB4] =	sst s8  }
0x11: {  	[smem:$0x3FB5] =	sst s9;
	s0 =	simm.s32 @!p0 $0x0  }
0x12: {  	s1 =	sld [smem:$0x3F9B];
	s0 =	simm.s32 @p0 $0x1  }
0x13: {  	[smem:$0x3FB6] =	sst s0;
	s0 =	simm.s32 @!p1 $0x0  }
0x14: {  	s2 =	sld [smem:$0x3F9A];
	s0 =	simm.s32 @p1 $0x1  }
0x15: {  	[smem:$0x3FB7] =	sst s0;
	s0 =	simm.s32 @!p2 $0x0  }
0x16: {  	s3 =	sld [smem:$0x3FDB];
	s0 =	simm.s32 @p2 $0x1  }
0x17: {  	s4 =	simm.s32 $0x1BF5;
	[smem:$0x3FB9] =	sst s0  }
0x18: {  	s0 =	sld [smem:$0x3F9C];
	_ =	swait.ge [sflag:s4], $0x0  }
0x19: {  	s7 =	sld [smem:$0x3F9D]  }
0x1a: {  	s8 =	sadd.s32 $0xFFFFE003, lr  }
0x1b: {  	s9 =	sadd.s32 $0xFFFFFEF7, lr;
	s5 =	simm.s32 $0xFFFFFFFF;
	p2 =	slt.u32 s8, $0xFFFFF086  }
0x1c: {  	p1 =	slt.u32 s9, $0xF7A;
	s5 =	simm.s32 @!p2 $0x0  }
0x1d: {  	s5 =	simm.s32 @p1 $0x1;
	p0 =	seq.s32 s7, s2  }
0x1e: {  	s7 =	smul.u32 @!p0 $0xF7A, s2;
	p2 =	seq.s32 @!p0 s5, $0x0  }
0x1f: {  	s9 =	smul.u32 $0xF7A, s1;
	s8 =	simm.s32 @!p0 $0x1BF5;
	p2 =	por !p2, p0  }
0x20: {  	[sflag:s8] =	ssyncset.s32 @!p0 $0xFFFFF086;
	s6 =	sadd.s32 @!p0 s3, s7;
	s7 =	simm.s32 @!p0 $0x108  }
0x21: {  	s3 =	sadd.s32 s3, s9;
	s6 =	sadd.s32 @!p0 $0x88, s6;
	s7 =	simm.s32 @p2 $0x1082  }
0x22: {  	[simem:s7], [sflag:s8] =	dma.local @!p0 [hbm:s6], $0xF7A  }
0x23: {  	s9 =	sor.u32 $0xD0000000, s2;
	s6 =	simm.s32 $0x108;
	_ =	swait.ge @!p0 [sflag:s8], $0x0  }
0x24: {  	s3 =	sadd.s32 $0x88, s3;
	s6 =	simm.s32 @!p1 $0x1082;
	[sflag:s4] =	ssyncset.s32 $0xFFFFF086  }
0x25: {  	[simem:s6], [sflag:s4] =	dma.local [hbm:s3], $0xF7A  }
0x26: {  	[smem:$0x3F9D] =	sst s1;
	(tag) =	ssettag s2;
	_ =	strace s9  }
0x27: {  	s1 =	sld [smem:$0x3FAD]  }
0x28: {  	s2 =	sld [smem:$0x3FAE]  }
0x29: {  	s4 =	sld [smem:$0x3FB0]  }
0x2a: {  	p0 =	seq.s32 s5, $0x0;
	s5 =	sld [smem:$0x3FB1]  }
0x2b: {  	s6 =	sld [smem:$0x3FB2]  }
0x2c: {  	s7 =	sld [smem:$0x3FB3]  }
0x2d: {  	s3 =	simm.s32 $0x108;
	s8 =	sld [smem:$0x3FB4]  }
0x2e: {  	s3 =	simm.s32 @!p0 $0x1082;
	s9 =	sld [smem:$0x3FB5]  }
0x2f: {  	lr =	sadd.s32 s0, s3;
	s0 =	sld [smem:$0x3FAC]  }
0x30: {  	s3 =	sld [smem:$0x3FAF]  }
0x31: {  	[smem:$0x3FB8] =	sst s10  }
0x32: {  	s10 =	sld [smem:$0x3FB6];
	_ =	sdelay $0x3  }
0x33: {  	p0 =	seq.s32 s10, $0x1;
	s10 =	sld [smem:$0x3FB8];
	_ =	sdelay $0x3  }
0x34: {  	[smem:$0x3FB8] =	sst s10  }
0x35: {  	s10 =	sld [smem:$0x3FB7];
	_ =	sdelay $0x3  }
0x36: {  	p1 =	seq.s32 s10, $0x1;
	s10 =	sld [smem:$0x3FB8];
	_ =	sdelay $0x3  }
0x37: {  	[smem:$0x3FB8] =	sst s10  }
0x38: {  	s10 =	sld [smem:$0x3FB9]  }
0x39: {  	_ = 	snop;
	(pc) =	sbr.ind lr, $3  }
0x3a: {  	_ = 	snop  }
0x3b: {  	_ = 	snop  }
0x3c: {  	p2 =	seq.s32 s10, $0x1;
	s10 =	sld [smem:$0x3FB8]  }
0x3d: {  	_ =	shalt  }
0x3e: {  	_ =	shalt  }
0x3f: {  	_ =	shalt  }
0x40: {  	_ =	shalt  }
0x41: {  	_ =	shalt  }
0x42: {  	_ =	shalt  }
0x43: {  	_ =	shalt  }
0x44: {  	_ =	shalt  }
0x45: {  	_ =	shalt  }
0x46: {  	_ =	shalt  }
0x47: {  	_ =	shalt  }
0x48: {  	_ =	shalt  }
0x49: {  	_ =	shalt  }
0x4a: {  	_ =	shalt  }
0x4b: {  	_ =	shalt  }
0x4c: {  	_ =	shalt  }
0x4d: {  	_ =	shalt  }
0x4e: {  	_ =	shalt  }
0x4f: {  	_ =	shalt  }
0x50: {  	_ =	shalt  }
0x51: {  	_ =	shalt  }
0x52: {  	_ =	shalt  }
0x53: {  	_ =	shalt  }
0x54: {  	_ =	shalt  }
0x55: {  	_ =	shalt  }
0x56: {  	_ =	shalt  }
0x57: {  	_ =	shalt  }
0x58: {  	_ =	shalt  }
0x59: {  	_ =	shalt  }
0x5a: {  	_ =	shalt  }
0x5b: {  	_ =	shalt  }
0x5c: {  	_ =	shalt  }
0x5d: {  	_ =	shalt  }
0x5e: {  	_ =	shalt  }
0x5f: {  	_ =	shalt  }
0x60: {  	_ =	shalt  }
0x61: {  	_ =	shalt  }
0x62: {  	_ =	shalt  }
0x63: {  	_ =	shalt  }
0x64: {  	_ =	shalt  }
0x65: {  	_ =	shalt  }
0x66: {  	_ =	shalt  }
0x67: {  	_ =	shalt  }
0x68: {  	_ =	shalt  }
0x69: {  	_ =	shalt  }
0x6a: {  	_ =	shalt  }
0x6b: {  	_ =	shalt  }
0x6c: {  	_ =	shalt  }
0x6d: {  	_ =	shalt  }
0x6e: {  	_ =	shalt  }
0x6f: {  	_ =	shalt  }
0x70: {  	_ =	shalt  }
0x71: {  	_ =	shalt  }
0x72: {  	_ =	shalt  }
0x73: {  	_ =	shalt  }
0x74: {  	_ =	shalt  }
0x75: {  	_ =	shalt  }
0x76: {  	_ =	shalt  }
0x77: {  	_ =	shalt  }
0x78: {  	_ =	shalt  }
0x79: {  	_ =	shalt  }
0x7a: {  	_ =	shalt  }
0x7b: {  	_ =	shalt  }
0x7c: {  	_ =	shalt  }
0x7d: {  	_ =	shalt  }
0x7e: {  	_ =	shalt  }
0x7f: {  	_ =	shalt  }
0x80: {  	_ =	shalt  }
0x81: {  	_ =	shalt  }
0x82: {  	_ =	shalt  }
0x83: {  	_ =	shalt  }
0x84: {  	_ =	shalt  }
0x85: {  	_ =	shalt  }
0x86: {  	_ =	shalt  }
0x87: {  	_ =	shalt  }
.Lfunc_end0:
.L_simem_size_0:
called_computation_lowered:
.L_overlay_start_0:
0x88: {  	s2 =	sld [smem:$0x3FD9]  }
0x89: {  	s3 =	sld [smem:$0x3FFE];
	_ =	sdelay $0x1  }
0x8a: {  	s1 =	srdreg.scid  }
0x8b: {  	s0 =	sand.u32 $0x1, s1  }
0x8c: {  	s18 =	sshll.u32 s0, $0xA;
	s2 =	sadd.s32 s3, s2  }
0x8d: {  	s2 =	sadd.s32 s2, s18  }
0x8e: {  	[smem:$0x3FC4] =	sst s2  }
0x8f: {  	_ = 	snop  }
0x90: {  	s2 =	sld [smem:$0x3FC9]  }
0x91: {  	s19 =	sld [smem:$0x3FC8]  }
0x92: {  	s4 =	sld [smem:$0x3FD0];
	(tm) =	ssettm $0x1  }
0x93: {  	s5 =	sld [smem:$0x3FFB];
	_ =	sdelay $0x3  }
0x94: {  	_ =	strace s5  }
0x95: {  	s5 =	sld [smem:$0x3FFC];
	_ =	sdelay $0x3  }
0x96: {  	_ =	strace s5  }
0x97: {  	s5 =	sld [smem:$0x3FFD];
	_ =	sdelay $0x3  }
0x98: {  	_ =	strace s5  }
0x99: {  	_ =	strace $0x8FFFFFFF  }
0x9a: {  	s20 =	sld [smem:$0x3FDB];
	_ =	sdelay $0x1  }
0x9b: {  	s6 =	simm.s32 $_scs_section_size  }
0x9c: {  	s7 =	simm.s32 $_size__tile_overlayer_lowered;
	s8 =	simm.s32 $_tile_overlayer_lowered  }
0x9d: {  	s23 =	simm.s32 $0x1BFF;
	s22 =	sshll.u32 s8, $0x1;
	s5 =	sadd.s32 s6, s20  }
0x9e: {  	s9 =	simm.s32 $0x0;
	s21 =	sshll.u32 s7, $0x1;
	s7 =	sadd.s32 s22, s5  }
0x9f: {  	[timem:s9], [sflag:s23] =	dma.local [hbm:s7], s21  }
0xa0: {  	_ =	swait.ge [sflag:s23], s21  }
0xa1: {  	s6 =	ssub.s32 $0x0, s21;
	[sflag:s23] =	ssyncset.done $0x0  }
0xa2: {  	[sflag:s23] =	ssyncadd.s32 s6;
	_ =	sdelay $0x1  }
0xa3: {  	s24 =	simm.s32 $0x1B8B  }
0xa4: {  	_ =	swait.ge [sflag:s24], $0x1  }
0xa5: {  	[sflag:s24] =	ssyncset.done $0x0  }
0xa6: {  	s25 =	simm.s32 $0x1B8E;
	[sflag:s24] =	ssyncadd.s32 $0xFFFFFFFF  }
0xa7: {  	s26 =	simm.s32 $execute0_lowered;
	[smem:$0x3FD2] =	sst s25  }
0xa8: {  	s6 =	sshll.u32 s26, $0x1;
	_ =	strace $0x80000046;
	[dreg:$0x1] =	wrdreg $0xFFFFFFFF  }
0xa9: {  	s28 =	simm.s32 $_size_execute0_lowered;
	s5 =	sadd.s32 s5, s6;
	[dreg:$0x0] =	wrdreg $0x0  }
0xaa: {  	s6 =	sshll.u32 s28, $0x1;
	[dreg:$0x2] =	wrdreg s5  }
0xab: {  	[dreg:$0x3] =	wrdreg s6  }
0xac: {  	[dreg:$0x4] =	wrdreg $0xC0  }
0xad: {  	_ =	task [dreg:s9], $0x5FFFF  }
0xae: {  	[dreg:$0x1] =	wrdreg $0xFFFFFFFF  }
0xaf: {  	[dreg:$0x0] =	wrdreg $0x60  }
0xb0: {  	[dreg:$0x2] =	wrdreg s19  }
0xb1: {  	[dreg:$0x3] =	wrdreg s2  }
0xb2: {  	[dreg:$0x4] =	wrdreg s4  }
0xb3: {  	[dreg:$0x5] =	wrdreg $0x9  }
0xb4: {  	_ =	task.clear_ibuf [dreg:s9], $0x6FFFF;
	_ =	strace $0x90000046  }
0xb5: {  	s29 =	simm.s32 $0x9;
	_ =	strace $0x80000048  }
0xb6: {  	_ =	swait.ge [sflag:s29], $0x1  }
0xb7: {  	[sflag:s29] =	ssyncadd.s32 $0xFFFFFFFF  }
0xb8: {  	_ =	strace $0x90000048  }
0xb9: {  	_ =	sfence  }
0xba: {  	s30 =	sld [smem:$0x0];
	_ =	sdelay $0x2  }
0xbb: {  	s31 =	sshll.u32 s1, $0xD;
	s1 =	sshrl.u32 s1, $0x2  }
0xbc: {  	s3 =	sand.u32 $0x4000, s31;
	s1 =	sadd.s32 s1, s30  }
0xbd: {  	s0 =	sor.u32 s3, s0;
	s1 =	sshll.u32 s1, $0x11  }
0xbe: {  	s0 =	sor.u32 s1, s0  }
0xbf: {  	s0 =	sadd.s32 $0x8F2B, s0  }
0xc0: {  	[sflag:s0] =	ssyncadd.remote.s32 $0x1  }
0xc1: {  	_ =	sfence.sel $0xFFFF  }
0xc2: {  	[dreg:$0x0] =	wrdreg $0xFFFFFFFF;
	(pc) =	sbr.abs _section_cstart, $3  }
0xc3: {  	[dreg:$0x1] =	wrdreg $0xFFFFFFFF  }
0xc4: {  	_ =	task.clear_ibuf [dreg:s9], $0x2FFFF;
	_ =	strace $0x9FFFFFFF  }
0xc5: {  	(tm) =	ssettm $0x7FFFFFFF  }
tec
execute0_lowered:
.L_overlay_start_1:
0x0: {  	(tag) =	ssettag $0x1  }
0x1: {  	s1 =	rddreg [dreg:$0x0]  }
0x2: {  	s5 =	rddreg [dreg:$0x1]  }
0x3: {  	s4 =	rddreg [dreg:$0x2];
	s3 =	srdreg.scid  }
0x4: {  	s0 =	rddreg [dreg:$0x3];
	s2 =	stileid.u32;
	s11 =	simm.s32 $0x3  }
0x5: {  	s12 =	simm.s32 $0x100;
	s13 =	simm.s32 $0x600;
	s14 =	simm.s32 $0x200  }
0x6: {  	s15 =	simm.s32 $0x700;
	s16 =	simm.s32 $0x300;
	s17 =	simm.s32 $0x800  }
0x7: {  	s18 =	simm.s32 $0x400;
	s19 =	simm.s32 $0x900;
	s20 =	simm.s32 $0x500  }
0x8: {  	s21 =	simm.s32 $0xA00;
	s22 =	simm.s32 $0x1;
	s23 =	simm.s32 $0x2  }
0x9: {  	s24 =	simm.s32 $0x0;
	s6 =	sand.u32 $0x1, s3;
	s3 =	simm.s32 $0x0  }
0xa: {  	s7 =	sshll.u32 s2, $0x6;
	s8 =	sshll.u32 s6, $0x5;
	s6 =	ssub.s32 $0x2, s6  }
0xb: {  	[smem:$0x7FF] =	sst s3;
	s7 =	sor.u32 s8, s7;
	s31 =	sshrl.u32 s6, $0x1  }
0xc: {  	_ =	strace $0x80000047;
	s4 =	sadd.s32 s4, s7;
	s10 =	ssub.s32 s6, s31  }
0xd: {  	s5 =	sadd.s32 s5, s7;
	s6 =	sadd.s32 $0x400, s4;
	s7 =	sadd.s32 $0x800, s4  }
0xe: {  	s8 =	sadd.s32 $0xC00, s4;
	s9 =	sadd.s32 $0x1000, s4;
	s10 =	smax.u32 s10, $0x1  }
.LBB2_1:
0xf: {  	[tilespmem:s3], [sflag:$0x3] =	stream.linear.gather [hbm4b:s5+s3], $0x100, $0x38;
	[tilespmem:$0xB00] =	vst v63  }
0x10: {  	_ =	swait.ge [sflag:s11], $0x100  }
0x11: {  	[sflag:s11] =	ssyncset.done $0x0  }
0x12: {  	[sflag:s11] =	ssyncadd.s32 $0xFFFFFF00  }
0x13: {  	v0 =	vld [tilespmem:s3+$0x0];
	_ =	sdelay $0x4  }
0x14: {  	s26 =	sand.u32 $0xF0, s3;
	[tilespmem:s12+$0x0] =	vst v0;
	v1 =	vadd.s32 $0x1, v0  }
0x15: {  	v2 =	vadd.s32 $0x2, v0;
	[tilespmem:s26+$0x200] =	vst v1  }
0x16: {  	v1 =	vadd.s32 $0x3, v0;
	[tilespmem:s26+$0x300] =	vst v2  }
0x17: {  	v0 =	vadd.s32 $0x4, v0;
	[tilespmem:s26+$0x400] =	vst v1  }
0x18: {  	s25 =	simm.s32 $0x10;
	[tilespmem:s26+$0x500] =	vst v0  }
0x19: {  	s28 =	simm.s32 $0x20;
	s29 =	simm.s32 $0x10;
	s26 =	simm.s32 $0x100;
	v0 =	vld [tilespmem:s25+$0x0]  }
.LBB2_2:
0x1a: {  	p0 =	sne.s32 s28, $0xF0;
	_ =	sdelay $0x2  }
0x1b: {  	s26 =	sadd.s32 $0x10, s26  }
0x1c: {  	s30 =	sand.u32 $0xF0, s25;
	s25 =	smov.u32 s28;
	[tilespmem:s26+$0x0] =	vst v0;
	v1 =	vadd.s32 $0x1, v0;
	v2 =	vadd.s32 $0x2, v0;
	v3 =	vadd.s32 $0x3, v0  }
.Ltmp0:
0x1d: {  	v0 =	vadd.s32 $0x4, v0;
	[tilespmem:s30+$0x200] =	vst v1;
	(pc) =	sbr.rel @p0 .LBB2_2-.Ltmp0, $4  }
0x1e: {  	[tilespmem:s30+$0x300] =	vst v2  }
0x1f: {  	[tilespmem:s30+$0x400] =	vst v3  }
0x20: {  	s29 =	sadd.s32 $0x10, s29;
	[tilespmem:s30+$0x500] =	vst v0  }
0x21: {  	s28 =	sadd.s32 $0x10, s28;
	v0 =	vld [tilespmem:s29+$0x0]  }
0x22: {  	_ =	sdelay $0x2  }
0x23: {  	s26 =	sadd.s32 $0x10, s26  }
0x24: {  	s25 =	sand.u32 $0xF0, s25;
	[tilespmem:s26+$0x0] =	vst v0;
	v1 =	vadd.s32 $0x1, v0  }
0x25: {  	v2 =	vadd.s32 $0x2, v0;
	[tilespmem:s25+$0x200] =	vst v1  }
0x26: {  	v62 =	vadd.s32 $0x3, v0;
	[tilespmem:s25+$0x300] =	vst v2  }
0x27: {  	v63 =	vadd.s32 $0x4, v0;
	[tilespmem:s25+$0x400] =	vst v62  }
0x28: {  	[tilespmem:s25+$0x500] =	vst v63  }
0x29: {  	[tilespmem:s13], [sflag:$0x1] =	stream.indirect.gather [hbm4b:s1+s12], $0x1, s12, s12, $0xb8;
	[tilespmem:$0xB00] =	vst v63  }
0x2a: {  	_ = 	snop  }
0x2b: {  	[tilespmem:s15], [sflag:$0x1] =	stream.indirect.gather [hbm4b:s1+s12], $0x1, s14, s12, $0xb8;
	[tilespmem:$0xB00] =	vst v63  }
0x2c: {  	_ = 	snop  }
0x2d: {  	[tilespmem:s17], [sflag:$0x1] =	stream.indirect.gather [hbm4b:s1+s12], $0x1, s16, s12, $0xb8;
	[tilespmem:$0xB00] =	vst v63  }
0x2e: {  	_ = 	snop  }
0x2f: {  	[tilespmem:s19], [sflag:$0x1] =	stream.indirect.gather [hbm4b:s1+s12], $0x1, s18, s12, $0xb8;
	[tilespmem:$0xB00] =	vst v63  }
0x30: {  	_ = 	snop  }
0x31: {  	[tilespmem:s21], [sflag:$0x1] =	stream.indirect.gather [hbm4b:s1+s12], $0x1, s20, s12, $0xb8;
	[tilespmem:$0xB00] =	vst v63  }
0x32: {  	_ =	swait.ge [sflag:s22], $0x100  }
0x33: {  	[sflag:s22] =	ssyncset.done $0x0  }
0x34: {  	[sflag:s22] =	ssyncadd.s32 $0xFFFFFF00  }
0x35: {  	[hbm4b:s4+s3] =	stream.linear.scatter [tilespmem:s13], [sflag:$0x2], $0x100, $0x38;
	[tilespmem:$0xB00] =	vst v63  }
0x36: {  	_ =	swait.ge [sflag:s22], $0x100  }
0x37: {  	[sflag:s22] =	ssyncset.done $0x0  }
0x38: {  	[sflag:s22] =	ssyncadd.s32 $0xFFFFFF00  }
0x39: {  	[hbm4b:s6+s3] =	stream.linear.scatter [tilespmem:s15], [sflag:$0x2], $0x100, $0x38;
	[tilespmem:$0xB00] =	vst v63  }
0x3a: {  	_ =	swait.ge [sflag:s22], $0x100  }
0x3b: {  	[sflag:s22] =	ssyncset.done $0x0  }
0x3c: {  	[sflag:s22] =	ssyncadd.s32 $0xFFFFFF00  }
0x3d: {  	[hbm4b:s7+s3] =	stream.linear.scatter [tilespmem:s17], [sflag:$0x2], $0x100, $0x38;
	[tilespmem:$0xB00] =	vst v63  }
0x3e: {  	_ =	swait.ge [sflag:s22], $0x100  }
0x3f: {  	[sflag:s22] =	ssyncset.done $0x0  }
0x40: {  	[sflag:s22] =	ssyncadd.s32 $0xFFFFFF00  }
0x41: {  	[hbm4b:s8+s3] =	stream.linear.scatter [tilespmem:s19], [sflag:$0x2], $0x100, $0x38;
	[tilespmem:$0xB00] =	vst v63  }
0x42: {  	_ =	swait.ge [sflag:s22], $0x100  }
0x43: {  	[sflag:s22] =	ssyncset.done $0x0  }
0x44: {  	[sflag:s22] =	ssyncadd.s32 $0xFFFFFF00  }
0x45: {  	[hbm4b:s9+s3] =	stream.linear.scatter [tilespmem:s21], [sflag:$0x2], $0x100, $0x38;
	[tilespmem:$0xB00] =	vst v63  }
0x46: {  	_ =	swait.ge [sflag:s23], $0x100  }
0x47: {  	[sflag:s23] =	ssyncset.done $0x0  }
0x48: {  	[sflag:s23] =	ssyncadd.s32 $0xFFFFFF00  }
0x49: {  	_ =	swait.ge [sflag:s23], $0x100  }
0x4a: {  	[sflag:s23] =	ssyncset.done $0x0  }
0x4b: {  	[sflag:s23] =	ssyncadd.s32 $0xFFFFFF00  }
0x4c: {  	_ =	swait.ge [sflag:s23], $0x100  }
0x4d: {  	[sflag:s23] =	ssyncset.done $0x0  }
0x4e: {  	s24 =	sadd.s32 $0x1, s24;
	[sflag:s23] =	ssyncadd.s32 $0xFFFFFF00  }
0x4f: {  	p0 =	sne.s32 s24, s10;
	_ =	swait.ge [sflag:s23], $0x100  }
.Ltmp1:
0x50: {  	[sflag:s23] =	ssyncset.done $0x0;
	(pc) =	sbr.rel @p0 .LBB2_1-.Ltmp1, $4  }
0x51: {  	[sflag:s23] =	ssyncadd.s32 $0xFFFFFF00  }
0x52: {  	_ =	swait.ge [sflag:s23], $0x100  }
0x53: {  	[sflag:s23] =	ssyncset.done $0x0  }
0x54: {  	[sflag:s23] =	ssyncadd.s32 $0xFFFFFF00  }
0x55: {  	_ =	sfence.sel $0x180000  }
0x56: {  	[bflag:$0x0] =	sbarrier.arrive $0xFFFF  }
0x57: {  	p0 =	sne.s32 s2, $0x0;
	_ =	strace $0x90000047  }
0x58: {  	s0 =	sadd.s32 @!p0 $0x100000, s0;
	[bflag:$0x2] =	sbarrier.arrive $0xFFFF  }
0x59: {  	[sflag:s0] =	ssyncadd.tile.s32 @!p0 $0x1;
	_ =	shalt  }
.Lfunc_end2:
_tile_overlayer_lowered:
.L_overlay_start_2:
0x5a: {  	(tag) =	ssettag $0x2  }
0x5b: {  	s0 =	rddreg [dreg:$0x0];
	s2 =	stileid.u32  }
0x5c: {  	s1 =	rddreg [dreg:$0x1];
	p0 =	sne.s32 s2, $0x0  }
0x5d: {  	s3 =	rddreg [dreg:$0x2];
	[bflag:$0x3] =	sbarrier.arrive $0xFFFF;
	s2 =	simm.s32 @!p0 $0x1C03  }
0x5e: {  	[timem:s3], [sflag:s2] =	dma.local @!p0 [hbm:s0], s1  }
0x5f: {  	s0 =	simm.s32 @!p0 $0x3  }
0x60: {  	_ =	swait.ge @!p0 [sflag:s0], s1  }
0x61: {  	s1 =	ssub.s32 @!p0 $0x0, s1;
	[sflag:s0] =	ssyncset.done @!p0 $0x0  }
0x62: {  	[sflag:s0] =	ssyncadd.s32 @!p0 s1  }
0x63: {  	[bflag:$0x3] =	sbarrier.arrive $0xFFFF  }
0x64: {  	_ =	shalt  }

</sc_bundles>
